<compile_context>
chip_gen: v7x
topology: tpu7x:2x2x1
jax: 0.10.2.dev20260603
libtpu: 0.0.44.dev20260713+nightly
codegen_flags: <defaults>
</compile_context>

<pallas_src>
import functools

import jax
import jax.numpy as jnp
from jax import lax
from jax.experimental import pallas as pl
from jax.experimental.pallas import tpu as pltpu
from jax.experimental.pallas import tpu_sc as plsc

BATCH = 16384
F = 26
D = 16
V = 1000000
NC = 2
NS = 16
NW = NC * NS
EPW = BATCH // NW
QW = 4
TWBLK = 131072

_mesh = plsc.VectorSubcoreMesh(core_axis_name="c", subcore_axis_name="s")


def _tw_body(t_ref, w_ref, o_ref):
    o_ref[...] = jnp.sum(t_ref[...] * w_ref[...], axis=0)


_tw_call = pl.pallas_call(
    _tw_body,
    grid=(pl.cdiv(V, TWBLK),),
    in_specs=[
        pl.BlockSpec((D, TWBLK), lambda i: (0, i)),
        pl.BlockSpec((D, 1), lambda i: (0, 0)),
    ],
    out_specs=pl.BlockSpec((TWBLK,), lambda i: (i,)),
    out_shape=jax.ShapeDtypeStruct((V,), jnp.float32),
)


@functools.partial(
    pl.kernel,
    mesh=_mesh,
    out_type=jax.ShapeDtypeStruct((BATCH,), jnp.float32),
    compiler_params=pltpu.CompilerParams(use_tc_tiling_on_sc=False),
    scratch_types=[
        pltpu.VMEM((F * EPW,), jnp.int32),
        pltpu.VMEM((F * EPW,), jnp.float32),
        pltpu.VMEM((EPW,), jnp.float32),
        pltpu.VMEM((F + 16,), jnp.int32),
        pltpu.VMEM((16,), jnp.float32),
        pltpu.VMEM_SHARED((V,), jnp.float32),
        pltpu.SemaphoreType.DMA,
        pltpu.SemaphoreType.DMA,
    ],
)
def _sc_pool_kernel(xt_hbm, offs_hbm, tw_hbm, b_hbm, out_hbm,
                    xidx, twg, outb, offs_v, b_v, tw_sp, sem, sem_p):
    sid = lax.axis_index("s")
    wid = sid * NC + lax.axis_index("c")

    @pl.when(sid < 8)
    def _():
        sl = pl.ds(sid * (V // 8), V // 8)
        pltpu.async_copy(tw_hbm.at[sl], tw_sp.at[sl], sem_p)

    pltpu.sync_copy(offs_hbm, offs_v)
    pltpu.sync_copy(b_hbm, b_v)
    base = wid * EPW

    def stage_body(f, carry):
        pltpu.async_copy(
            xt_hbm.at[pl.ds(f * BATCH + base, EPW)],
            xidx.at[pl.ds(f * EPW, EPW)],
            sem,
        )
        return carry

    lax.fori_loop(0, F, stage_body, 0)
    pltpu.make_async_copy(xt_hbm.at[pl.ds(0, F * EPW)], xidx, sem).wait()

    def add_body(f, carry):
        off = offs_v[pl.ds(f, 16)][0]

        def vbody(v, c2):
            sl = pl.ds(f * EPW + v * 16, 16)
            xidx[sl] = xidx[sl] + off
            return c2

        lax.fori_loop(0, EPW // 16, vbody, 0)
        return carry

    lax.fori_loop(0, F, add_body, 0)

    @pl.when(sid < 8)
    def _():
        sl = pl.ds(sid * (V // 8), V // 8)
        pltpu.make_async_copy(tw_hbm.at[sl], tw_sp.at[sl], sem_p).wait()

    plsc.subcore_barrier()

    def gather_body(k, carry):
        sl = pl.ds(k * 128, 128)
        pltpu.async_copy(tw_sp.at[xidx.at[sl]], twg.at[sl], sem)
        return carry

    lax.fori_loop(0, F * EPW // 128, gather_body, 0)
    pltpu.make_async_copy(tw_hbm.at[pl.ds(0, F * EPW)], twg, sem).wait()

    bv = b_v[...]

    def pool_body(v, carry):
        acc = twg[pl.ds(v * 16, 16)]
        for f in range(1, F):
            acc = acc + twg[pl.ds(f * EPW + v * 16, 16)]
        z = acc + bv
        outb[pl.ds(v * 16, 16)] = 1.0 / (1.0 + jnp.exp(-z))
        return carry

    lax.fori_loop(0, EPW // 16, pool_body, 0)
    pltpu.sync_copy(outb, out_hbm.at[pl.ds(base, EPW)])


def kernel(x, offsets, emb_table, W, b):
    xt = x.astype(jnp.int32).T.reshape(BATCH * F)
    wv = (W * (1.0 / F)).astype(jnp.float32)
    tw = _tw_call(emb_table.T, wv)
    b16 = jnp.broadcast_to(b.astype(jnp.float32), (16,))
    offs48 = jnp.pad(offsets.astype(jnp.int32), (0, 16))
    return _sc_pool_kernel(xt, offs48, tw, b16)

# --- scband reference (transcript-rebuilt; emitter-appended) ---
"""Pipeline reference for scband-logistic-regression-with-embedding-17368847745097 (READ-ONLY COPY).

The authoritative reference and input builder live on the scoring server;
editing this copy changes nothing except your own understanding.
"""

import jax, jax.numpy as jnp
import numpy as np

BATCH = 16384
N_FIELDS = 26
FIELD_DIM = 38461
TOTAL_FIELD_DIMS = 1000000
EMBED_DIM = 16
OUTPUT_DIM = 1


def setup_inputs(seed: int = 0) -> dict:
    key = jax.random.key(seed)
    k_x, k_emb, k_w, k_b = jax.random.split(key, 4)
    x = jax.random.randint(k_x, (BATCH, N_FIELDS), 0, FIELD_DIM, dtype=jnp.int64 if jax.config.jax_enable_x64 else jnp.int32)
    # xavier uniform for embedding table: bound = sqrt(6/(fan_in+fan_out))
    bound_e = float(np.sqrt(6.0 / (TOTAL_FIELD_DIMS + EMBED_DIM)))
    emb_table = jax.random.uniform(k_emb, (TOTAL_FIELD_DIMS, EMBED_DIM), minval=-bound_e, maxval=bound_e, dtype=jnp.float32)
    # torch Linear default init: U(-1/sqrt(fan_in), 1/sqrt(fan_in))
    bound_l = 1.0 / float(np.sqrt(EMBED_DIM))
    W = jax.random.uniform(k_w, (EMBED_DIM, OUTPUT_DIM), minval=-bound_l, maxval=bound_l, dtype=jnp.float32)
    b = jax.random.uniform(k_b, (OUTPUT_DIM,), minval=-bound_l, maxval=bound_l, dtype=jnp.float32)
    offsets = jnp.asarray(np.arange(N_FIELDS) * FIELD_DIM, dtype=x.dtype)
    return {"x": x, "offsets": offsets, "emb_table": emb_table, "W": W, "b": b}


def reference(x, offsets, emb_table, W, b):
    idx = x + offsets[None, :]                 # [B, F]
    e = jnp.take(emb_table, idx, axis=0)       # [B, F, D] gather
    pooled = e.mean(axis=1)                    # [B, D]
    logits = pooled @ W + b                    # [B, 1]
    y = jax.nn.sigmoid(logits)
    return jnp.squeeze(y, axis=1)              # [B]

if __name__ == "__main__":
    import jax
    _d = setup_inputs()
    print(jax.jit(kernel)(*tuple(_d.values())))

</pallas_src>

<mosaic_0001>
#map = affine_map<(d0, d1) -> (0)>
module attributes {stable_mosaic.version = 14 : i64} {
  func.func @_sc_pool_kernel(%arg0: i32, %arg1: i32, %arg2: memref<425984xi32, #tpu.memory_space<hbm>>, %arg3: memref<42xi32, #tpu.memory_space<hbm>>, %arg4: memref<1000000xf32, #tpu.memory_space<hbm>>, %arg5: memref<16xf32, #tpu.memory_space<hbm>>, %arg6: memref<16384xf32, #tpu.memory_space<hbm>>, %arg7: memref<13312xi32, #tpu.memory_space<vmem>>, %arg8: memref<13312xf32, #tpu.memory_space<vmem>>, %arg9: memref<512xf32, #tpu.memory_space<vmem>>, %arg10: memref<42xi32, #tpu.memory_space<vmem>>, %arg11: memref<16xf32, #tpu.memory_space<vmem>>, %arg12: memref<1000000xf32, #tpu.memory_space<vmem_shared>>, %arg13: memref<!tpu.dma_semaphore, #tpu.memory_space<semaphore_mem>>, %arg14: memref<!tpu.dma_semaphore, #tpu.memory_space<semaphore_mem>>) attributes {dimension_semantics = [#tpu.dimension_semantics<core_parallel>, #tpu.dimension_semantics<subcore_parallel>], iteration_bounds = array<i64: 2, 16>, scalar_prefetch = 0 : i64, scratch_operands = 8 : i64, tpu.core_type = #tpu.core_type<sc_vector_subcore>, window_params = [{transform_indices = #map}, {transform_indices = #map}, {transform_indices = #map}, {transform_indices = #map}, {transform_indices = #map}]} {
    %mul3A = arith.constant 2 : i32
    %mul3A_0 = arith.muli %arg1, %mul3A : i32
    %add3A = arith.addi %mul3A_0, %arg0 : i32
    %lt3A = arith.constant 8 : i32
    %lt3A_1 = arith.cmpi slt, %arg1, %lt3A : i32
    %convert_element_type3A = arith.extui %lt3A_1 : i1 to i32
    %cond3A = arith.constant 0 : i32
    %cond3A_2 = arith.cmpi ne, %convert_element_type3A, %cond3A : i32
    scf.if %cond3A_2 {
      %mul3A_42 = arith.constant 125000 : i32
      %mul3A_43 = arith.muli %arg1, %mul3A_42 : i32
      %dma_start3A = tpu.memref_slice %arg12[%mul3A_43] : memref<1000000xf32, #tpu.memory_space<vmem_shared>> -> memref<125000xf32, #tpu.memory_space<vmem_shared>>
      %dma_start3A_44 = tpu.memref_slice %arg4[%mul3A_43] : memref<1000000xf32, #tpu.memory_space<hbm>> -> memref<125000xf32, #tpu.memory_space<hbm>>
      tpu.enqueue_dma source(%dma_start3A_44 : memref<125000xf32, #tpu.memory_space<hbm>>) target(%dma_start3A : memref<125000xf32, #tpu.memory_space<vmem_shared>>) target_semaphore(%arg14 : memref<!tpu.dma_semaphore, #tpu.memory_space<semaphore_mem>>)
    } else {
    }
    "tpu.region"() ({
      %run_scoped3A = tpu.sem_alloc : memref<!tpu.dma_semaphore, #tpu.memory_space<semaphore_mem>>
      tpu.enqueue_dma source(%arg3 : memref<42xi32, #tpu.memory_space<hbm>>) target(%arg10 : memref<42xi32, #tpu.memory_space<vmem>>) target_semaphore(%run_scoped3A : memref<!tpu.dma_semaphore, #tpu.memory_space<semaphore_mem>>)
      tpu.wait_dma2 semaphore(%run_scoped3A : memref<!tpu.dma_semaphore, #tpu.memory_space<semaphore_mem>>) src(%arg3 : memref<42xi32, #tpu.memory_space<hbm>>) dst(%arg10 : memref<42xi32, #tpu.memory_space<vmem>>)
      tpu.yield
    }) : () -> ()
    "tpu.region"() ({
      %run_scoped3A = tpu.sem_alloc : memref<!tpu.dma_semaphore, #tpu.memory_space<semaphore_mem>>
      tpu.enqueue_dma source(%arg5 : memref<16xf32, #tpu.memory_space<hbm>>) target(%arg11 : memref<16xf32, #tpu.memory_space<vmem>>) target_semaphore(%run_scoped3A : memref<!tpu.dma_semaphore, #tpu.memory_space<semaphore_mem>>)
      tpu.wait_dma2 semaphore(%run_scoped3A : memref<!tpu.dma_semaphore, #tpu.memory_space<semaphore_mem>>) src(%arg5 : memref<16xf32, #tpu.memory_space<hbm>>) dst(%arg11 : memref<16xf32, #tpu.memory_space<vmem>>)
      tpu.yield
    }) : () -> ()
    %mul3A_3 = arith.constant 512 : i32
    %mul3A_4 = arith.muli %add3A, %mul3A_3 : i32
    %scan3A = arith.constant 0 : i32
    %scan3A_5 = arith.constant 0 : i32
    %scan3A_6 = arith.constant 26 : i32
    %scan3A_7 = arith.addi %scan3A_5, %scan3A_6 : i32
    %scan3A_8 = arith.constant 1 : i32
    scf.for %scan3A_42 = %scan3A_5 to %scan3A_7 step %scan3A_8  : i32 {
      %mul3A_43 = arith.constant 16384 : i32
      %mul3A_44 = arith.muli %scan3A_42, %mul3A_43 : i32
      %add3A_45 = arith.addi %mul3A_44, %mul3A_4 : i32
      %mul3A_46 = arith.constant 512 : i32
      %mul3A_47 = arith.muli %scan3A_42, %mul3A_46 : i32
      %dma_start3A = tpu.memref_slice %arg7[%mul3A_47] : memref<13312xi32, #tpu.memory_space<vmem>> -> memref<512xi32, #tpu.memory_space<vmem>>
      %dma_start3A_48 = tpu.memref_slice %arg2[%add3A_45] : memref<425984xi32, #tpu.memory_space<hbm>> -> memref<512xi32, #tpu.memory_space<hbm>>
      %dma_start3A_49 = tpu.memref_slice %arg7[%mul3A_47] : memref<13312xi32, #tpu.memory_space<vmem>> -> memref<512xi32, #tpu.memory_space<vmem>>
      %dma_start3A_50 = tpu.memref_slice %arg2[%add3A_45] : memref<425984xi32, #tpu.memory_space<hbm>> -> memref<512xi32, #tpu.memory_space<hbm>>
      tpu.enqueue_dma source(%dma_start3A_50 : memref<512xi32, #tpu.memory_space<hbm>>) target(%dma_start3A_49 : memref<512xi32, #tpu.memory_space<vmem>>) target_semaphore(%arg13 : memref<!tpu.dma_semaphore, #tpu.memory_space<semaphore_mem>>)
    }
    %scan3A_9 = arith.constant 26 : i32
    %dma_wait3A = arith.constant 0 : i32
    %dma_wait3A_10 = tpu.memref_slice %arg2[%dma_wait3A] : memref<425984xi32, #tpu.memory_space<hbm>> -> memref<13312xi32, #tpu.memory_space<hbm>>
    %dma_wait3A_11 = arith.constant 0 : i32
    %dma_wait3A_12 = tpu.memref_slice %arg2[%dma_wait3A_11] : memref<425984xi32, #tpu.memory_space<hbm>> -> memref<13312xi32, #tpu.memory_space<hbm>>
    tpu.wait_dma2 semaphore(%arg13 : memref<!tpu.dma_semaphore, #tpu.memory_space<semaphore_mem>>) src(%dma_wait3A_12 : memref<13312xi32, #tpu.memory_space<hbm>>) dst(%arg7 : memref<13312xi32, #tpu.memory_space<vmem>>)
    %scan3A_13 = arith.constant 0 : i32
    %scan3A_14 = arith.constant 0 : i32
    %scan3A_15 = arith.constant 26 : i32
    %scan3A_16 = arith.addi %scan3A_14, %scan3A_15 : i32
    %scan3A_17 = arith.constant 1 : i32
    scf.for %scan3A_42 = %scan3A_14 to %scan3A_16 step %scan3A_17  : i32 {
      %get3A_43 = arith.index_cast %scan3A_42 : i32 to index
      %get3A_44 = tpu.vector_load %arg10[%get3A_43] {strides = array<i32>} : memref<42xi32, #tpu.memory_space<vmem>>, vector<16xi32>,
      %get3A_45 = vector.shape_cast %get3A_44 : vector<16xi32> to vector<16xi32>
      %slice3A = vector.extract_strided_slice %get3A_45 {offsets = [0], sizes = [1], strides = [1]} : vector<16xi32> to vector<1xi32>
      %squeeze3A = vector.extract %slice3A[0] : i32 from vector<1xi32>
      %scan3A_46 = arith.constant 0 : i32
      %scan3A_47 = arith.constant 0 : i32
      %scan3A_48 = arith.constant 32 : i32
      %scan3A_49 = arith.addi %scan3A_47, %scan3A_48 : i32
      %scan3A_50 = arith.constant 1 : i32
      scf.for %scan3A_52 = %scan3A_47 to %scan3A_49 step %scan3A_50  : i32 {
        %mul3A_53 = arith.constant 512 : i32
        %mul3A_54 = arith.muli %scan3A_42, %mul3A_53 : i32
        %mul3A_55 = arith.constant 16 : i32
        %mul3A_56 = arith.muli %scan3A_52, %mul3A_55 : i32
        %add3A_57 = arith.addi %mul3A_54, %mul3A_56 : i32
        %get3A_58 = arith.index_cast %add3A_57 : i32 to index
        %get3A_59 = tpu.vector_load %arg7[%get3A_58] {strides = array<i32>} : memref<13312xi32, #tpu.memory_space<vmem>>, vector<16xi32>,
        %get3A_60 = vector.shape_cast %get3A_59 : vector<16xi32> to vector<16xi32>
        %add3A_61 = vector.broadcast %squeeze3A : i32 to vector<16xi32>
        %add3A_62 = arith.addi %get3A_60, %add3A_61 : vector<16xi32>
        %swap3A = arith.index_cast %add3A_57 : i32 to index
        %swap3A_63 = tpu.vector_load %arg7[%swap3A] {strides = array<i32>} : memref<13312xi32, #tpu.memory_space<vmem>>, vector<16xi32>,
        %swap3A_64 = vector.shape_cast %swap3A_63 : vector<16xi32> to vector<16xi32>
        %swap3A_65 = vector.shape_cast %add3A_62 : vector<16xi32> to vector<16xi32>
        tpu.vector_store %arg7[%swap3A], %swap3A_65 {strides = array<i32>} : memref<13312xi32, #tpu.memory_space<vmem>>, vector<16xi32>,
      }
      %scan3A_51 = arith.constant 32 : i32
    }
    %scan3A_18 = arith.constant 26 : i32
    %lt3A_19 = arith.constant 8 : i32
    %lt3A_20 = arith.cmpi slt, %arg1, %lt3A_19 : i32
    %convert_element_type3A_21 = arith.extui %lt3A_20 : i1 to i32
    %cond3A_22 = arith.constant 0 : i32
    %cond3A_23 = arith.cmpi ne, %convert_element_type3A_21, %cond3A_22 : i32
    scf.if %cond3A_23 {
      %mul3A_42 = arith.constant 125000 : i32
      %mul3A_43 = arith.muli %arg1, %mul3A_42 : i32
      %dma_wait3A_44 = tpu.memref_slice %arg12[%mul3A_43] : memref<1000000xf32, #tpu.memory_space<vmem_shared>> -> memref<125000xf32, #tpu.memory_space<vmem_shared>>
      %dma_wait3A_45 = tpu.memref_slice %arg4[%mul3A_43] : memref<1000000xf32, #tpu.memory_space<hbm>> -> memref<125000xf32, #tpu.memory_space<hbm>>
      tpu.wait_dma2 semaphore(%arg14 : memref<!tpu.dma_semaphore, #tpu.memory_space<semaphore_mem>>) src(%dma_wait3A_45 : memref<125000xf32, #tpu.memory_space<hbm>>) dst(%dma_wait3A_44 : memref<125000xf32, #tpu.memory_space<vmem_shared>>)
    } else {
    }
    %barrier3A = arith.constant 0 : index
    tpu.barrier barrier_id(%barrier3A)
    %scan3A_24 = arith.constant 0 : i32
    %scan3A_25 = arith.constant 0 : i32
    %scan3A_26 = arith.constant 104 : i32
    %scan3A_27 = arith.addi %scan3A_25, %scan3A_26 : i32
    %scan3A_28 = arith.constant 1 : i32
    scf.for %scan3A_42 = %scan3A_25 to %scan3A_27 step %scan3A_28  : i32 {
      %mul3A_43 = arith.constant 128 : i32
      %mul3A_44 = arith.muli %scan3A_42, %mul3A_43 : i32
      %dma_start3A = tpu.memref_slice %arg8[%mul3A_44] : memref<13312xf32, #tpu.memory_space<vmem>> -> memref<128xf32, #tpu.memory_space<vmem>>
      %dma_start3A_45 = tpu.memref_slice %arg7[%mul3A_44] : memref<13312xi32, #tpu.memory_space<vmem>> -> memref<128xi32, #tpu.memory_space<vmem>>
      %dma_start3A_46 = arith.constant 0 : i32
      %dma_start3A_47 = tpu.memref_slice %arg12[%dma_start3A_46] : memref<1000000xf32, #tpu.memory_space<vmem_shared>> -> memref<1000000xf32, #tpu.memory_space<vmem_shared>>
      tpu.enqueue_indirect_dma source(%dma_start3A_47 : memref<1000000xf32, #tpu.memory_space<vmem_shared>>) target(%dma_start3A : memref<128xf32, #tpu.memory_space<vmem>>) offsets(%dma_start3A_45 : memref<128xi32, #tpu.memory_space<vmem>>) semaphore(%arg13 : memref<!tpu.dma_semaphore, #tpu.memory_space<semaphore_mem>>)
    }
    %scan3A_29 = arith.constant 104 : i32
    %dma_wait3A_30 = arith.constant 0 : i32
    %dma_wait3A_31 = tpu.memref_slice %arg4[%dma_wait3A_30] : memref<1000000xf32, #tpu.memory_space<hbm>> -> memref<13312xf32, #tpu.memory_space<hbm>>
    %dma_wait3A_32 = arith.constant 0 : i32
    %dma_wait3A_33 = tpu.memref_slice %arg4[%dma_wait3A_32] : memref<1000000xf32, #tpu.memory_space<hbm>> -> memref<13312xf32, #tpu.memory_space<hbm>>
    tpu.wait_dma2 semaphore(%arg13 : memref<!tpu.dma_semaphore, #tpu.memory_space<semaphore_mem>>) src(%dma_wait3A_33 : memref<13312xf32, #tpu.memory_space<hbm>>) dst(%arg8 : memref<13312xf32, #tpu.memory_space<vmem>>)
    %get3A = arith.constant 0 : index
    %get3A_34 = tpu.vector_load %arg11[%get3A] {strides = array<i32>} : memref<16xf32, #tpu.memory_space<vmem>>, vector<16xf32>,
    %get3A_35 = vector.shape_cast %get3A_34 : vector<16xf32> to vector<16xf32>
    %scan3A_36 = arith.constant 0 : i32
    %scan3A_37 = arith.constant 0 : i32
    %scan3A_38 = arith.constant 32 : i32
    %scan3A_39 = arith.addi %scan3A_37, %scan3A_38 : i32
    %scan3A_40 = arith.constant 1 : i32
    scf.for %scan3A_42 = %scan3A_37 to %scan3A_39 step %scan3A_40  : i32 {
      %mul3A_43 = arith.constant 16 : i32
      %mul3A_44 = arith.muli %scan3A_42, %mul3A_43 : i32
      %get3A_45 = arith.index_cast %mul3A_44 : i32 to index
      %get3A_46 = tpu.vector_load %arg8[%get3A_45] {strides = array<i32>} : memref<13312xf32, #tpu.memory_space<vmem>>, vector<16xf32>,
      %get3A_47 = vector.shape_cast %get3A_46 : vector<16xf32> to vector<16xf32>
      %mul3A_48 = arith.constant 16 : i32
      %mul3A_49 = arith.muli %scan3A_42, %mul3A_48 : i32
      %add3A_50 = arith.constant 512 : i32
      %add3A_51 = arith.addi %add3A_50, %mul3A_49 : i32
      %get3A_52 = arith.index_cast %add3A_51 : i32 to index
      %get3A_53 = tpu.vector_load %arg8[%get3A_52] {strides = array<i32>} : memref<13312xf32, #tpu.memory_space<vmem>>, vector<16xf32>,
      %get3A_54 = vector.shape_cast %get3A_53 : vector<16xf32> to vector<16xf32>
      %add3A_55 = arith.addf %get3A_47, %get3A_54 : vector<16xf32>
      %mul3A_56 = arith.constant 16 : i32
      %mul3A_57 = arith.muli %scan3A_42, %mul3A_56 : i32
      %add3A_58 = arith.constant 1024 : i32
      %add3A_59 = arith.addi %add3A_58, %mul3A_57 : i32
      %get3A_60 = arith.index_cast %add3A_59 : i32 to index
      %get3A_61 = tpu.vector_load %arg8[%get3A_60] {strides = array<i32>} : memref<13312xf32, #tpu.memory_space<vmem>>, vector<16xf32>,
      %get3A_62 = vector.shape_cast %get3A_61 : vector<16xf32> to vector<16xf32>
      %add3A_63 = arith.addf %add3A_55, %get3A_62 : vector<16xf32>
      %mul3A_64 = arith.constant 16 : i32
      %mul3A_65 = arith.muli %scan3A_42, %mul3A_64 : i32
      %add3A_66 = arith.constant 1536 : i32
      %add3A_67 = arith.addi %add3A_66, %mul3A_65 : i32
      %get3A_68 = arith.index_cast %add3A_67 : i32 to index
      %get3A_69 = tpu.vector_load %arg8[%get3A_68] {strides = array<i32>} : memref<13312xf32, #tpu.memory_space<vmem>>, vector<16xf32>,
      %get3A_70 = vector.shape_cast %get3A_69 : vector<16xf32> to vector<16xf32>
      %add3A_71 = arith.addf %add3A_63, %get3A_70 : vector<16xf32>
      %mul3A_72 = arith.constant 16 : i32
      %mul3A_73 = arith.muli %scan3A_42, %mul3A_72 : i32
      %add3A_74 = arith.constant 2048 : i32
      %add3A_75 = arith.addi %add3A_74, %mul3A_73 : i32
      %get3A_76 = arith.index_cast %add3A_75 : i32 to index
      %get3A_77 = tpu.vector_load %arg8[%get3A_76] {strides = array<i32>} : memref<13312xf32, #tpu.memory_space<vmem>>, vector<16xf32>,
      %get3A_78 = vector.shape_cast %get3A_77 : vector<16xf32> to vector<16xf32>
      %add3A_79 = arith.addf %add3A_71, %get3A_78 : vector<16xf32>
      %mul3A_80 = arith.constant 16 : i32
      %mul3A_81 = arith.muli %scan3A_42, %mul3A_80 : i32
      %add3A_82 = arith.constant 2560 : i32
      %add3A_83 = arith.addi %add3A_82, %mul3A_81 : i32
      %get3A_84 = arith.index_cast %add3A_83 : i32 to index
      %get3A_85 = tpu.vector_load %arg8[%get3A_84] {strides = array<i32>} : memref<13312xf32, #tpu.memory_space<vmem>>, vector<16xf32>,
      %get3A_86 = vector.shape_cast %get3A_85 : vector<16xf32> to vector<16xf32>
      %add3A_87 = arith.addf %add3A_79, %get3A_86 : vector<16xf32>
      %mul3A_88 = arith.constant 16 : i32
      %mul3A_89 = arith.muli %scan3A_42, %mul3A_88 : i32
      %add3A_90 = arith.constant 3072 : i32
      %add3A_91 = arith.addi %add3A_90, %mul3A_89 : i32
      %get3A_92 = arith.index_cast %add3A_91 : i32 to index
      %get3A_93 = tpu.vector_load %arg8[%get3A_92] {strides = array<i32>} : memref<13312xf32, #tpu.memory_space<vmem>>, vector<16xf32>,
      %get3A_94 = vector.shape_cast %get3A_93 : vector<16xf32> to vector<16xf32>
      %add3A_95 = arith.addf %add3A_87, %get3A_94 : vector<16xf32>
      %mul3A_96 = arith.constant 16 : i32
      %mul3A_97 = arith.muli %scan3A_42, %mul3A_96 : i32
      %add3A_98 = arith.constant 3584 : i32
      %add3A_99 = arith.addi %add3A_98, %mul3A_97 : i32
      %get3A_100 = arith.index_cast %add3A_99 : i32 to index
      %get3A_101 = tpu.vector_load %arg8[%get3A_100] {strides = array<i32>} : memref<13312xf32, #tpu.memory_space<vmem>>, vector<16xf32>,
      %get3A_102 = vector.shape_cast %get3A_101 : vector<16xf32> to vector<16xf32>
      %add3A_103 = arith.addf %add3A_95, %get3A_102 : vector<16xf32>
      %mul3A_104 = arith.constant 16 : i32
      %mul3A_105 = arith.muli %scan3A_42, %mul3A_104 : i32
      %add3A_106 = arith.constant 4096 : i32
      %add3A_107 = arith.addi %add3A_106, %mul3A_105 : i32
      %get3A_108 = arith.index_cast %add3A_107 : i32 to index
      %get3A_109 = tpu.vector_load %arg8[%get3A_108] {strides = array<i32>} : memref<13312xf32, #tpu.memory_space<vmem>>, vector<16xf32>,
      %get3A_110 = vector.shape_cast %get3A_109 : vector<16xf32> to vector<16xf32>
      %add3A_111 = arith.addf %add3A_103, %get3A_110 : vector<16xf32>
      %mul3A_112 = arith.constant 16 : i32
      %mul3A_113 = arith.muli %scan3A_42, %mul3A_112 : i32
      %add3A_114 = arith.constant 4608 : i32
      %add3A_115 = arith.addi %add3A_114, %mul3A_113 : i32
      %get3A_116 = arith.index_cast %add3A_115 : i32 to index
      %get3A_117 = tpu.vector_load %arg8[%get3A_116] {strides = array<i32>} : memref<13312xf32, #tpu.memory_space<vmem>>, vector<16xf32>,
      %get3A_118 = vector.shape_cast %get3A_117 : vector<16xf32> to vector<16xf32>
      %add3A_119 = arith.addf %add3A_111, %get3A_118 : vector<16xf32>
      %mul3A_120 = arith.constant 16 : i32
      %mul3A_121 = arith.muli %scan3A_42, %mul3A_120 : i32
      %add3A_122 = arith.constant 5120 : i32
      %add3A_123 = arith.addi %add3A_122, %mul3A_121 : i32
      %get3A_124 = arith.index_cast %add3A_123 : i32 to index
      %get3A_125 = tpu.vector_load %arg8[%get3A_124] {strides = array<i32>} : memref<13312xf32, #tpu.memory_space<vmem>>, vector<16xf32>,
      %get3A_126 = vector.shape_cast %get3A_125 : vector<16xf32> to vector<16xf32>
      %add3A_127 = arith.addf %add3A_119, %get3A_126 : vector<16xf32>
      %mul3A_128 = arith.constant 16 : i32
      %mul3A_129 = arith.muli %scan3A_42, %mul3A_128 : i32
      %add3A_130 = arith.constant 5632 : i32
      %add3A_131 = arith.addi %add3A_130, %mul3A_129 : i32
      %get3A_132 = arith.index_cast %add3A_131 : i32 to index
      %get3A_133 = tpu.vector_load %arg8[%get3A_132] {strides = array<i32>} : memref<13312xf32, #tpu.memory_space<vmem>>, vector<16xf32>,
      %get3A_134 = vector.shape_cast %get3A_133 : vector<16xf32> to vector<16xf32>
      %add3A_135 = arith.addf %add3A_127, %get3A_134 : vector<16xf32>
      %mul3A_136 = arith.constant 16 : i32
      %mul3A_137 = arith.muli %scan3A_42, %mul3A_136 : i32
      %add3A_138 = arith.constant 6144 : i32
      %add3A_139 = arith.addi %add3A_138, %mul3A_137 : i32
      %get3A_140 = arith.index_cast %add3A_139 : i32 to index
      %get3A_141 = tpu.vector_load %arg8[%get3A_140] {strides = array<i32>} : memref<13312xf32, #tpu.memory_space<vmem>>, vector<16xf32>,
      %get3A_142 = vector.shape_cast %get3A_141 : vector<16xf32> to vector<16xf32>
      %add3A_143 = arith.addf %add3A_135, %get3A_142 : vector<16xf32>
      %mul3A_144 = arith.constant 16 : i32
      %mul3A_145 = arith.muli %scan3A_42, %mul3A_144 : i32
      %add3A_146 = arith.constant 6656 : i32
      %add3A_147 = arith.addi %add3A_146, %mul3A_145 : i32
      %get3A_148 = arith.index_cast %add3A_147 : i32 to index
      %get3A_149 = tpu.vector_load %arg8[%get3A_148] {strides = array<i32>} : memref<13312xf32, #tpu.memory_space<vmem>>, vector<16xf32>,
      %get3A_150 = vector.shape_cast %get3A_149 : vector<16xf32> to vector<16xf32>
      %add3A_151 = arith.addf %add3A_143, %get3A_150 : vector<16xf32>
      %mul3A_152 = arith.constant 16 : i32
      %mul3A_153 = arith.muli %scan3A_42, %mul3A_152 : i32
      %add3A_154 = arith.constant 7168 : i32
      %add3A_155 = arith.addi %add3A_154, %mul3A_153 : i32
      %get3A_156 = arith.index_cast %add3A_155 : i32 to index
      %get3A_157 = tpu.vector_load %arg8[%get3A_156] {strides = array<i32>} : memref<13312xf32, #tpu.memory_space<vmem>>, vector<16xf32>,
      %get3A_158 = vector.shape_cast %get3A_157 : vector<16xf32> to vector<16xf32>
      %add3A_159 = arith.addf %add3A_151, %get3A_158 : vector<16xf32>
      %mul3A_160 = arith.constant 16 : i32
      %mul3A_161 = arith.muli %scan3A_42, %mul3A_160 : i32
      %add3A_162 = arith.constant 7680 : i32
      %add3A_163 = arith.addi %add3A_162, %mul3A_161 : i32
      %get3A_164 = arith.index_cast %add3A_163 : i32 to index
      %get3A_165 = tpu.vector_load %arg8[%get3A_164] {strides = array<i32>} : memref<13312xf32, #tpu.memory_space<vmem>>, vector<16xf32>,
      %get3A_166 = vector.shape_cast %get3A_165 : vector<16xf32> to vector<16xf32>
      %add3A_167 = arith.addf %add3A_159, %get3A_166 : vector<16xf32>
      %mul3A_168 = arith.constant 16 : i32
      %mul3A_169 = arith.muli %scan3A_42, %mul3A_168 : i32
      %add3A_170 = arith.constant 8192 : i32
      %add3A_171 = arith.addi %add3A_170, %mul3A_169 : i32
      %get3A_172 = arith.index_cast %add3A_171 : i32 to index
      %get3A_173 = tpu.vector_load %arg8[%get3A_172] {strides = array<i32>} : memref<13312xf32, #tpu.memory_space<vmem>>, vector<16xf32>,
      %get3A_174 = vector.shape_cast %get3A_173 : vector<16xf32> to vector<16xf32>
      %add3A_175 = arith.addf %add3A_167, %get3A_174 : vector<16xf32>
      %mul3A_176 = arith.constant 16 : i32
      %mul3A_177 = arith.muli %scan3A_42, %mul3A_176 : i32
      %add3A_178 = arith.constant 8704 : i32
      %add3A_179 = arith.addi %add3A_178, %mul3A_177 : i32
      %get3A_180 = arith.index_cast %add3A_179 : i32 to index
      %get3A_181 = tpu.vector_load %arg8[%get3A_180] {strides = array<i32>} : memref<13312xf32, #tpu.memory_space<vmem>>, vector<16xf32>,
      %get3A_182 = vector.shape_cast %get3A_181 : vector<16xf32> to vector<16xf32>
      %add3A_183 = arith.addf %add3A_175, %get3A_182 : vector<16xf32>
      %mul3A_184 = arith.constant 16 : i32
      %mul3A_185 = arith.muli %scan3A_42, %mul3A_184 : i32
      %add3A_186 = arith.constant 9216 : i32
      %add3A_187 = arith.addi %add3A_186, %mul3A_185 : i32
      %get3A_188 = arith.index_cast %add3A_187 : i32 to index
      %get3A_189 = tpu.vector_load %arg8[%get3A_188] {strides = array<i32>} : memref<13312xf32, #tpu.memory_space<vmem>>, vector<16xf32>,
      %get3A_190 = vector.shape_cast %get3A_189 : vector<16xf32> to vector<16xf32>
      %add3A_191 = arith.addf %add3A_183, %get3A_190 : vector<16xf32>
      %mul3A_192 = arith.constant 16 : i32
      %mul3A_193 = arith.muli %scan3A_42, %mul3A_192 : i32
      %add3A_194 = arith.constant 9728 : i32
      %add3A_195 = arith.addi %add3A_194, %mul3A_193 : i32
      %get3A_196 = arith.index_cast %add3A_195 : i32 to index
      %get3A_197 = tpu.vector_load %arg8[%get3A_196] {strides = array<i32>} : memref<13312xf32, #tpu.memory_space<vmem>>, vector<16xf32>,
      %get3A_198 = vector.shape_cast %get3A_197 : vector<16xf32> to vector<16xf32>
      %add3A_199 = arith.addf %add3A_191, %get3A_198 : vector<16xf32>
      %mul3A_200 = arith.constant 16 : i32
      %mul3A_201 = arith.muli %scan3A_42, %mul3A_200 : i32
      %add3A_202 = arith.constant 10240 : i32
      %add3A_203 = arith.addi %add3A_202, %mul3A_201 : i32
      %get3A_204 = arith.index_cast %add3A_203 : i32 to index
      %get3A_205 = tpu.vector_load %arg8[%get3A_204] {strides = array<i32>} : memref<13312xf32, #tpu.memory_space<vmem>>, vector<16xf32>,
      %get3A_206 = vector.shape_cast %get3A_205 : vector<16xf32> to vector<16xf32>
      %add3A_207 = arith.addf %add3A_199, %get3A_206 : vector<16xf32>
      %mul3A_208 = arith.constant 16 : i32
      %mul3A_209 = arith.muli %scan3A_42, %mul3A_208 : i32
      %add3A_210 = arith.constant 10752 : i32
      %add3A_211 = arith.addi %add3A_210, %mul3A_209 : i32
      %get3A_212 = arith.index_cast %add3A_211 : i32 to index
      %get3A_213 = tpu.vector_load %arg8[%get3A_212] {strides = array<i32>} : memref<13312xf32, #tpu.memory_space<vmem>>, vector<16xf32>,
      %get3A_214 = vector.shape_cast %get3A_213 : vector<16xf32> to vector<16xf32>
      %add3A_215 = arith.addf %add3A_207, %get3A_214 : vector<16xf32>
      %mul3A_216 = arith.constant 16 : i32
      %mul3A_217 = arith.muli %scan3A_42, %mul3A_216 : i32
      %add3A_218 = arith.constant 11264 : i32
      %add3A_219 = arith.addi %add3A_218, %mul3A_217 : i32
      %get3A_220 = arith.index_cast %add3A_219 : i32 to index
      %get3A_221 = tpu.vector_load %arg8[%get3A_220] {strides = array<i32>} : memref<13312xf32, #tpu.memory_space<vmem>>, vector<16xf32>,
      %get3A_222 = vector.shape_cast %get3A_221 : vector<16xf32> to vector<16xf32>
      %add3A_223 = arith.addf %add3A_215, %get3A_222 : vector<16xf32>
      %mul3A_224 = arith.constant 16 : i32
      %mul3A_225 = arith.muli %scan3A_42, %mul3A_224 : i32
      %add3A_226 = arith.constant 11776 : i32
      %add3A_227 = arith.addi %add3A_226, %mul3A_225 : i32
      %get3A_228 = arith.index_cast %add3A_227 : i32 to index
      %get3A_229 = tpu.vector_load %arg8[%get3A_228] {strides = array<i32>} : memref<13312xf32, #tpu.memory_space<vmem>>, vector<16xf32>,
      %get3A_230 = vector.shape_cast %get3A_229 : vector<16xf32> to vector<16xf32>
      %add3A_231 = arith.addf %add3A_223, %get3A_230 : vector<16xf32>
      %mul3A_232 = arith.constant 16 : i32
      %mul3A_233 = arith.muli %scan3A_42, %mul3A_232 : i32
      %add3A_234 = arith.constant 12288 : i32
      %add3A_235 = arith.addi %add3A_234, %mul3A_233 : i32
      %get3A_236 = arith.index_cast %add3A_235 : i32 to index
      %get3A_237 = tpu.vector_load %arg8[%get3A_236] {strides = array<i32>} : memref<13312xf32, #tpu.memory_space<vmem>>, vector<16xf32>,
      %get3A_238 = vector.shape_cast %get3A_237 : vector<16xf32> to vector<16xf32>
      %add3A_239 = arith.addf %add3A_231, %get3A_238 : vector<16xf32>
      %mul3A_240 = arith.constant 16 : i32
      %mul3A_241 = arith.muli %scan3A_42, %mul3A_240 : i32
      %add3A_242 = arith.constant 12800 : i32
      %add3A_243 = arith.addi %add3A_242, %mul3A_241 : i32
      %get3A_244 = arith.index_cast %add3A_243 : i32 to index
      %get3A_245 = tpu.vector_load %arg8[%get3A_244] {strides = array<i32>} : memref<13312xf32, #tpu.memory_space<vmem>>, vector<16xf32>,
      %get3A_246 = vector.shape_cast %get3A_245 : vector<16xf32> to vector<16xf32>
      %add3A_247 = arith.addf %add3A_239, %get3A_246 : vector<16xf32>
      %add3A_248 = arith.addf %add3A_247, %get3A_35 : vector<16xf32>
      %neg3A = arith.constant 0.000000e+00 : f32
      %neg3A_249 = vector.broadcast %neg3A : f32 to vector<16xf32>
      %neg3A_250 = arith.subf %neg3A_249, %add3A_248 : vector<16xf32>
      %exp3A = math.exp %neg3A_250 : vector<16xf32>
      %add3A_251 = arith.constant 1.000000e+00 : f32
      %add3A_252 = vector.broadcast %add3A_251 : f32 to vector<16xf32>
      %add3A_253 = arith.addf %add3A_252, %exp3A : vector<16xf32>
      %div3A = arith.constant 1.000000e+00 : f32
      %div3A_254 = vector.broadcast %div3A : f32 to vector<16xf32>
      %div3A_255 = arith.divf %div3A_254, %add3A_253 : vector<16xf32>
      %mul3A_256 = arith.constant 16 : i32
      %mul3A_257 = arith.muli %scan3A_42, %mul3A_256 : i32
      %swap3A = arith.index_cast %mul3A_257 : i32 to index
      %swap3A_258 = tpu.vector_load %arg9[%swap3A] {strides = array<i32>} : memref<512xf32, #tpu.memory_space<vmem>>, vector<16xf32>,
      %swap3A_259 = vector.shape_cast %swap3A_258 : vector<16xf32> to vector<16xf32>
      %swap3A_260 = vector.shape_cast %div3A_255 : vector<16xf32> to vector<16xf32>
      tpu.vector_store %arg9[%swap3A], %swap3A_260 {strides = array<i32>} : memref<512xf32, #tpu.memory_space<vmem>>, vector<16xf32>,
    }
    %scan3A_41 = arith.constant 32 : i32
    "tpu.region"() ({
      %run_scoped3A = tpu.sem_alloc : memref<!tpu.dma_semaphore, #tpu.memory_space<semaphore_mem>>
      %dma_start3A = tpu.memref_slice %arg6[%mul3A_4] : memref<16384xf32, #tpu.memory_space<hbm>> -> memref<512xf32, #tpu.memory_space<hbm>>
      %dma_start3A_42 = tpu.memref_slice %arg6[%mul3A_4] : memref<16384xf32, #tpu.memory_space<hbm>> -> memref<512xf32, #tpu.memory_space<hbm>>
      tpu.enqueue_dma source(%arg9 : memref<512xf32, #tpu.memory_space<vmem>>) target(%dma_start3A_42 : memref<512xf32, #tpu.memory_space<hbm>>) target_semaphore(%run_scoped3A : memref<!tpu.dma_semaphore, #tpu.memory_space<semaphore_mem>>)
      %dma_wait3A_43 = tpu.memref_slice %arg6[%mul3A_4] : memref<16384xf32, #tpu.memory_space<hbm>> -> memref<512xf32, #tpu.memory_space<hbm>>
      %dma_wait3A_44 = tpu.memref_slice %arg6[%mul3A_4] : memref<16384xf32, #tpu.memory_space<hbm>> -> memref<512xf32, #tpu.memory_space<hbm>>
      tpu.wait_dma2 semaphore(%run_scoped3A : memref<!tpu.dma_semaphore, #tpu.memory_space<semaphore_mem>>) src(%arg9 : memref<512xf32, #tpu.memory_space<vmem>>) dst(%dma_wait3A_44 : memref<512xf32, #tpu.memory_space<hbm>>)
      tpu.yield
    }) : () -> ()
    return
  }
}

module attributes {stable_mosaic.version = 14 : i64} {
  func.func @_tw_body(%arg0: i32, %arg1: memref<16x131072xf32, #tpu.memory_space<vmem>>, %arg2: memref<16x1xf32, #tpu.memory_space<vmem>>, %arg3: memref<131072xf32, #tpu.memory_space<vmem>>) attributes {dimension_semantics = [#tpu.dimension_semantics<arbitrary>], iteration_bounds = array<i64: 8>, scalar_prefetch = 0 : i64, scratch_operands = 0 : i64, tpu.core_type = #tpu.core_type<tc>, window_params = [{transform_indices = @transform_0, window_bounds = array<i64: 16, 131072>}, {pipeline_mode = #tpu.pipeline_mode<synchronous>, transform_indices = @transform_1, window_bounds = array<i64: 16, 1>}, {transform_indices = @transform_2, window_bounds = array<i64: 131072>}]} {
    %get3A = arith.constant 0 : index
    %get3A_0 = arith.constant 0 : index
    %get3A_1 = vector.load %arg1[%get3A, %get3A_0] : memref<16x131072xf32, #tpu.memory_space<vmem>>, vector<16x131072xf32>
    %get3A_2 = arith.constant 0 : index
    %get3A_3 = arith.constant 0 : index
    %get3A_4 = vector.load %arg2[%get3A_2, %get3A_3] : memref<16x1xf32, #tpu.memory_space<vmem>>, vector<16x1xf32>
    %mul3A = vector.broadcast %get3A_4 : vector<16x1xf32> to vector<16x131072xf32>
    %mul3A_5 = arith.mulf %get3A_1, %mul3A : vector<16x131072xf32>
    %reduce_sum3A = arith.constant dense<0.000000e+00> : vector<131072xf32>
    %reduce_sum3A_6 = vector.multi_reduction <add>, %mul3A_5, %reduce_sum3A [0] : vector<16x131072xf32> to vector<131072xf32>
    %swap3A = arith.constant 0 : index
    %swap3A_7 = vector.load %arg3[%swap3A] : memref<131072xf32, #tpu.memory_space<vmem>>, vector<131072xf32>
    tpu.vector_store %arg3[%swap3A], %reduce_sum3A_6 {strides = array<i32>} : memref<131072xf32, #tpu.memory_space<vmem>>, vector<131072xf32>,
    return
  }
  func.func @transform_0(%arg0: i32) -> (i32, i32) {
    %c0_i32 = arith.constant 0 : i32
    %c0_i32_0 = arith.constant 0 : i32
    return %c0_i32, %arg0 : i32, i32
  }
  func.func @transform_1(%arg0: i32) -> (i32, i32) {
    %c0_i32 = arith.constant 0 : i32
    %c0_i32_0 = arith.constant 0 : i32
    %c0_i32_1 = arith.constant 0 : i32
    return %c0_i32, %c0_i32_0 : i32, i32
  }
  func.func @transform_2(%arg0: i32) -> i32 {
    %c0_i32 = arith.constant 0 : i32
    return %arg0 : i32
  }
}

</mosaic_0001>

<sc_bundles>
// kernel: kernel.4.cloned.1.call-start
scs
__scs_entry_jumppad:
0x0: {  	(pc) =	sbr.rel $0x88, $3  }
0x1: {  	(tag) =	ssettag $0x0;
	lr =	simm.s32 $0x1  }
0x2: {  	[smem:$0x3F9C] =	sst lr;
	_ =	strace $0xD0000000  }
0x3: {  	_ = 	snop  }
0x4: {  	_ = 	snop  }
0x5: {  	_ = 	snop  }
0x6: {  	_ = 	snop  }
0x7: {  	_ = 	snop  }
__scs_overlays_trampoline_lowered:
0x8: {  	[smem:$0x3FAB] =	sst s0  }
0x9: {  	[smem:$0x3FAC] =	sst s1  }
0xa: {  	[smem:$0x3FAD] =	sst s2  }
0xb: {  	[smem:$0x3FAE] =	sst s3  }
0xc: {  	[smem:$0x3FAF] =	sst s4  }
0xd: {  	[smem:$0x3FB0] =	sst s5  }
0xe: {  	[smem:$0x3FB1] =	sst s6  }
0xf: {  	[smem:$0x3FB2] =	sst s7  }
0x10: {  	[smem:$0x3FB3] =	sst s8  }
0x11: {  	[smem:$0x3FB4] =	sst s9;
	s0 =	simm.s32 @!p0 $0x0  }
0x12: {  	s1 =	sld [smem:$0x3F9A];
	s0 =	simm.s32 @p0 $0x1  }
0x13: {  	[smem:$0x3FB5] =	sst s0;
	s0 =	simm.s32 @!p1 $0x0  }
0x14: {  	s2 =	sld [smem:$0x3F99];
	s0 =	simm.s32 @p1 $0x1  }
0x15: {  	[smem:$0x3FB6] =	sst s0;
	s0 =	simm.s32 @!p2 $0x0  }
0x16: {  	s3 =	sld [smem:$0x3FDB];
	s0 =	simm.s32 @p2 $0x1  }
0x17: {  	s4 =	simm.s32 $0x1BF5;
	[smem:$0x3FB8] =	sst s0  }
0x18: {  	s0 =	sld [smem:$0x3F9B];
	_ =	swait.ge [sflag:s4], $0x0  }
0x19: {  	s7 =	sld [smem:$0x3F9C]  }
0x1a: {  	s8 =	sadd.s32 $0xFFFFE003, lr  }
0x1b: {  	s9 =	sadd.s32 $0xFFFFFEF7, lr;
	s5 =	simm.s32 $0xFFFFFFFF;
	p2 =	slt.u32 s8, $0xFFFFF086  }
0x1c: {  	p1 =	slt.u32 s9, $0xF7A;
	s5 =	simm.s32 @!p2 $0x0  }
0x1d: {  	s5 =	simm.s32 @p1 $0x1;
	p0 =	seq.s32 s7, s2  }
0x1e: {  	s7 =	smul.u32 @!p0 $0xF7A, s2;
	p2 =	seq.s32 @!p0 s5, $0x0  }
0x1f: {  	s9 =	smul.u32 $0xF7A, s1;
	s8 =	simm.s32 @!p0 $0x1BF5;
	p2 =	por !p2, p0  }
0x20: {  	[sflag:s8] =	ssyncset.s32 @!p0 $0xFFFFF086;
	s6 =	sadd.s32 @!p0 s3, s7;
	s7 =	simm.s32 @!p0 $0x108  }
0x21: {  	s3 =	sadd.s32 s3, s9;
	s6 =	sadd.s32 @!p0 $0x88, s6;
	s7 =	simm.s32 @p2 $0x1082  }
0x22: {  	[simem:s7], [sflag:s8] =	dma.local @!p0 [hbm:s6], $0xF7A  }
0x23: {  	s9 =	sor.u32 $0xD0000000, s2;
	s6 =	simm.s32 $0x108;
	_ =	swait.ge @!p0 [sflag:s8], $0x0  }
0x24: {  	s3 =	sadd.s32 $0x88, s3;
	s6 =	simm.s32 @!p1 $0x1082;
	[sflag:s4] =	ssyncset.s32 $0xFFFFF086  }
0x25: {  	[simem:s6], [sflag:s4] =	dma.local [hbm:s3], $0xF7A  }
0x26: {  	[smem:$0x3F9C] =	sst s1;
	(tag) =	ssettag s2;
	_ =	strace s9  }
0x27: {  	s1 =	sld [smem:$0x3FAC]  }
0x28: {  	s2 =	sld [smem:$0x3FAD]  }
0x29: {  	s4 =	sld [smem:$0x3FAF]  }
0x2a: {  	p0 =	seq.s32 s5, $0x0;
	s5 =	sld [smem:$0x3FB0]  }
0x2b: {  	s6 =	sld [smem:$0x3FB1]  }
0x2c: {  	s7 =	sld [smem:$0x3FB2]  }
0x2d: {  	s3 =	simm.s32 $0x108;
	s8 =	sld [smem:$0x3FB3]  }
0x2e: {  	s3 =	simm.s32 @!p0 $0x1082;
	s9 =	sld [smem:$0x3FB4]  }
0x2f: {  	lr =	sadd.s32 s0, s3;
	s0 =	sld [smem:$0x3FAB]  }
0x30: {  	s3 =	sld [smem:$0x3FAE]  }
0x31: {  	[smem:$0x3FB7] =	sst s10  }
0x32: {  	s10 =	sld [smem:$0x3FB5];
	_ =	sdelay $0x3  }
0x33: {  	p0 =	seq.s32 s10, $0x1;
	s10 =	sld [smem:$0x3FB7];
	_ =	sdelay $0x3  }
0x34: {  	[smem:$0x3FB7] =	sst s10  }
0x35: {  	s10 =	sld [smem:$0x3FB6];
	_ =	sdelay $0x3  }
0x36: {  	p1 =	seq.s32 s10, $0x1;
	s10 =	sld [smem:$0x3FB7];
	_ =	sdelay $0x3  }
0x37: {  	[smem:$0x3FB7] =	sst s10  }
0x38: {  	s10 =	sld [smem:$0x3FB8]  }
0x39: {  	_ = 	snop;
	(pc) =	sbr.ind lr, $3  }
0x3a: {  	_ = 	snop  }
0x3b: {  	_ = 	snop  }
0x3c: {  	p2 =	seq.s32 s10, $0x1;
	s10 =	sld [smem:$0x3FB7]  }
0x3d: {  	_ =	shalt  }
0x3e: {  	_ =	shalt  }
0x3f: {  	_ =	shalt  }
0x40: {  	_ =	shalt  }
0x41: {  	_ =	shalt  }
0x42: {  	_ =	shalt  }
0x43: {  	_ =	shalt  }
0x44: {  	_ =	shalt  }
0x45: {  	_ =	shalt  }
0x46: {  	_ =	shalt  }
0x47: {  	_ =	shalt  }
0x48: {  	_ =	shalt  }
0x49: {  	_ =	shalt  }
0x4a: {  	_ =	shalt  }
0x4b: {  	_ =	shalt  }
0x4c: {  	_ =	shalt  }
0x4d: {  	_ =	shalt  }
0x4e: {  	_ =	shalt  }
0x4f: {  	_ =	shalt  }
0x50: {  	_ =	shalt  }
0x51: {  	_ =	shalt  }
0x52: {  	_ =	shalt  }
0x53: {  	_ =	shalt  }
0x54: {  	_ =	shalt  }
0x55: {  	_ =	shalt  }
0x56: {  	_ =	shalt  }
0x57: {  	_ =	shalt  }
0x58: {  	_ =	shalt  }
0x59: {  	_ =	shalt  }
0x5a: {  	_ =	shalt  }
0x5b: {  	_ =	shalt  }
0x5c: {  	_ =	shalt  }
0x5d: {  	_ =	shalt  }
0x5e: {  	_ =	shalt  }
0x5f: {  	_ =	shalt  }
0x60: {  	_ =	shalt  }
0x61: {  	_ =	shalt  }
0x62: {  	_ =	shalt  }
0x63: {  	_ =	shalt  }
0x64: {  	_ =	shalt  }
0x65: {  	_ =	shalt  }
0x66: {  	_ =	shalt  }
0x67: {  	_ =	shalt  }
0x68: {  	_ =	shalt  }
0x69: {  	_ =	shalt  }
0x6a: {  	_ =	shalt  }
0x6b: {  	_ =	shalt  }
0x6c: {  	_ =	shalt  }
0x6d: {  	_ =	shalt  }
0x6e: {  	_ =	shalt  }
0x6f: {  	_ =	shalt  }
0x70: {  	_ =	shalt  }
0x71: {  	_ =	shalt  }
0x72: {  	_ =	shalt  }
0x73: {  	_ =	shalt  }
0x74: {  	_ =	shalt  }
0x75: {  	_ =	shalt  }
0x76: {  	_ =	shalt  }
0x77: {  	_ =	shalt  }
0x78: {  	_ =	shalt  }
0x79: {  	_ =	shalt  }
0x7a: {  	_ =	shalt  }
0x7b: {  	_ =	shalt  }
0x7c: {  	_ =	shalt  }
0x7d: {  	_ =	shalt  }
0x7e: {  	_ =	shalt  }
0x7f: {  	_ =	shalt  }
0x80: {  	_ =	shalt  }
0x81: {  	_ =	shalt  }
0x82: {  	_ =	shalt  }
0x83: {  	_ =	shalt  }
0x84: {  	_ =	shalt  }
0x85: {  	_ =	shalt  }
0x86: {  	_ =	shalt  }
0x87: {  	_ =	shalt  }
.Lfunc_end0:
.L_simem_size_0:
called_computation_lowered:
.L_overlay_start_0:
0x88: {  	s2 =	sld [smem:$0x3FD9]  }
0x89: {  	s3 =	sld [smem:$0x3FFE];
	_ =	sdelay $0x1  }
0x8a: {  	s1 =	srdreg.scid  }
0x8b: {  	s0 =	sand.u32 $0x1, s1  }
0x8c: {  	s17 =	sshll.u32 s0, $0xA;
	s2 =	sadd.s32 s3, s2  }
0x8d: {  	s2 =	sadd.s32 s2, s17  }
0x8e: {  	[smem:$0x3FC3] =	sst s2  }
0x8f: {  	_ = 	snop  }
0x90: {  	s2 =	sld [smem:$0x3FD0];
	(tm) =	ssettm $0x1  }
0x91: {  	s18 =	sld [smem:$0x3FFB];
	_ =	sdelay $0x3  }
0x92: {  	_ =	strace s18  }
0x93: {  	s3 =	sld [smem:$0x3FFC];
	_ =	sdelay $0x3  }
0x94: {  	_ =	strace s3  }
0x95: {  	s3 =	sld [smem:$0x3FFD];
	_ =	sdelay $0x3  }
0x96: {  	_ =	strace s3  }
0x97: {  	_ =	strace $0x8FFFFFFF  }
0x98: {  	s19 =	sld [smem:$0x3FDB];
	_ =	sdelay $0x1  }
0x99: {  	s4 =	simm.s32 $_scs_section_size  }
0x9a: {  	s5 =	simm.s32 $_size__tile_overlayer_lowered;
	s6 =	simm.s32 $_tile_overlayer_lowered  }
0x9b: {  	s22 =	simm.s32 $0x1BFF;
	s21 =	sshll.u32 s6, $0x1;
	s3 =	sadd.s32 s4, s19  }
0x9c: {  	s7 =	simm.s32 $0x0;
	s20 =	sshll.u32 s5, $0x1;
	s5 =	sadd.s32 s21, s3  }
0x9d: {  	[timem:s7], [sflag:s22] =	dma.local [hbm:s5], s20  }
0x9e: {  	_ =	swait.ge [sflag:s22], s20  }
0x9f: {  	s4 =	ssub.s32 $0x0, s20;
	[sflag:s22] =	ssyncset.done $0x0  }
0xa0: {  	[sflag:s22] =	ssyncadd.s32 s4;
	_ =	sdelay $0x1  }
0xa1: {  	s23 =	simm.s32 $0x1B8B  }
0xa2: {  	_ =	swait.ge [sflag:s23], $0x1  }
0xa3: {  	[sflag:s23] =	ssyncset.done $0x0  }
0xa4: {  	s25 =	simm.s32 $0x1B8E;
	s24 =	sld [smem:$0x3FFE];
	[sflag:s23] =	ssyncadd.s32 $0xFFFFFFFF  }
0xa5: {  	s26 =	simm.s32 $execute0_lowered;
	[smem:$0x3FD2] =	sst s25  }
0xa6: {  	s5 =	sshll.u32 s26, $0x1;
	_ =	strace $0x80000046;
	[dreg:$0x1] =	wrdreg $0xFFFFFFFF  }
0xa7: {  	s28 =	simm.s32 $_size_execute0_lowered;
	s3 =	sadd.s32 s3, s5;
	[dreg:$0x0] =	wrdreg $0x0  }
0xa8: {  	s5 =	sshll.u32 s28, $0x1;
	[dreg:$0x2] =	wrdreg s3  }
0xa9: {  	[dreg:$0x3] =	wrdreg s5  }
0xaa: {  	[dreg:$0x4] =	wrdreg $0xC0  }
0xab: {  	_ =	task [dreg:s7], $0x5FFFF  }
0xac: {  	[dreg:$0x1] =	wrdreg $0xFFFFFFFF  }
0xad: {  	[dreg:$0x0] =	wrdreg $0x60  }
0xae: {  	[dreg:$0x2] =	wrdreg s24  }
0xaf: {  	[dreg:$0x3] =	wrdreg s2  }
0xb0: {  	[dreg:$0x4] =	wrdreg $0x6A400  }
0xb1: {  	[dreg:$0x5] =	wrdreg $0x9  }
0xb2: {  	_ =	task.clear_ibuf [dreg:s7], $0x6FFFF;
	_ =	strace $0x90000046  }
0xb3: {  	s29 =	simm.s32 $0x9;
	_ =	strace $0x80000048  }
0xb4: {  	_ =	swait.ge [sflag:s29], $0x1  }
0xb5: {  	[sflag:s29] =	ssyncadd.s32 $0xFFFFFFFF  }
0xb6: {  	_ =	strace $0x90000048  }
0xb7: {  	_ =	sfence  }
0xb8: {  	s30 =	sld [smem:$0x0];
	_ =	sdelay $0x2  }
0xb9: {  	s31 =	sshll.u32 s1, $0xD;
	s1 =	sshrl.u32 s1, $0x2  }
0xba: {  	s3 =	sand.u32 $0x4000, s31;
	s1 =	sadd.s32 s1, s30  }
0xbb: {  	s0 =	sor.u32 s3, s0;
	s1 =	sshll.u32 s1, $0x11  }
0xbc: {  	s0 =	sor.u32 s1, s0  }
0xbd: {  	s0 =	sadd.s32 $0x8F2B, s0  }
0xbe: {  	[sflag:s0] =	ssyncadd.remote.s32 $0x1  }
0xbf: {  	_ =	sfence.sel $0xFFFF  }
0xc0: {  	[dreg:$0x0] =	wrdreg $0xFFFFFFFF;
	(pc) =	sbr.abs _section_cstart, $3  }
0xc1: {  	[dreg:$0x1] =	wrdreg $0xFFFFFFFF  }
0xc2: {  	_ =	task.clear_ibuf [dreg:s7], $0x2FFFF;
	_ =	strace $0x9FFFFFFF  }
0xc3: {  	(tm) =	ssettm $0x7FFFFFFF  }
tec
execute0_lowered:
.L_overlay_start_1:
0x0: {  	(tag) =	ssettag $0x1  }
0x1: {  	s5 =	rddreg [dreg:$0x0]  }
0x2: {  	s7 =	rddreg [dreg:$0x1]  }
0x3: {  	s2 =	rddreg [dreg:$0x2];
	s3 =	srdreg.scid  }
0x4: {  	s0 =	rddreg [dreg:$0x3];
	s1 =	stileid.u32  }
0x5: {  	s13 =	simm.s32 $0x3;
	s14 =	simm.s32 $0x6A30;
	s15 =	simm.s32 $0x1  }
0x6: {  	s16 =	simm.s32 $0x80;
	s17 =	simm.s32 $0x6800;
	s18 =	simm.s32 $0x0  }
0x7: {  	s4 =	sand.u32 $0x1, s3;
	s3 =	simm.s32 $0x0;
	s6 =	sshll.u32 s1, $0xA  }
0x8: {  	s30 =	smul.u32 $0x1E848, s1;
	p0 =	sgt.u32 s1, $0x7;
	s8 =	sshll.u32 s4, $0x9  }
0x9: {  	[smem:$0x7FF] =	sst s3;
	s11 =	ssub.s32 $0x2, s4;
	s4 =	sadd.s32 $0xD600, s5  }
0xa: {  	s6 =	sor.u32 s8, s6;
	_ =	strace $0x80000047;
	s31 =	sshrl.u32 s30, $0x3  }
0xb: {  	s12 =	sshrl.u32 s11, $0x1;
	s9 =	sshrl.u32 s6, $0x3;
	s6 =	sadd.s32 s31, s5  }
0xc: {  	s11 =	ssub.s32 s11, s12;
	s12 =	sadd.s32 s30, s2;
	s10 =	sadd.s32 s9, s5  }
0xd: {  	s5 =	sadd.s32 $0x2C200, s5;
	s6 =	sadd.s32 $0xD800, s6;
	s7 =	sadd.s32 s7, s9  }
0xe: {  	s8 =	smax.u32 s11, $0x1;
	s9 =	sadd.s32 $0x600, s10;
	s10 =	sshll.u32 @!p0 s1, $0x6  }
0xf: {  	s11 =	sshrl.u32 @!p0 s12, $0x3;
	s12 =	simm.s32 $0x6A00;
	s10 =	sor.u32 @!p0 $0x1C02, s10  }
.LBB2_1:
0x10: {  	[spmem:s11], [sflag:s10] =	dma.local @!p0 [hbm:s6], $0x3D09  }
0x11: {  	[tilespmem:s12], [sflag:$0x3] =	stream.linear.gather [hbm4b:s4+s3], $0x30, $0x38;
	[tilespmem:$0x15E68] =	vst v63  }
0x12: {  	_ =	swait.ge [sflag:s13], $0x30  }
0x13: {  	[sflag:s13] =	ssyncset.done $0x0  }
0x14: {  	[sflag:s13] =	ssyncadd.s32 $0xFFFFFFD0  }
0x15: {  	[tilespmem:s14], [sflag:$0x3] =	stream.linear.gather [hbm4b:s5+s3], $0x10, $0x38;
	[tilespmem:$0x15E68] =	vst v63  }
0x16: {  	_ =	swait.ge [sflag:s13], $0x10  }
0x17: {  	s19 =	simm.s32 $0x800;
	[sflag:s13] =	ssyncset.done $0x0  }
0x18: {  	s20 =	simm.s32 $0x0;
	s21 =	sadd.s32 $0x0, s9;
	[sflag:s13] =	ssyncadd.s32 $0xFFFFFFF0  }
.LBB2_2:
0x19: {  	[tilespmem:s20], [sflag:$0x1] =	stream.linear.gather [hbm4b:s21+s3], $0x200, $0x38;
	[tilespmem:$0x15E68] =	vst v63  }
0x1a: {  	s21 =	smov.u32 s19;
	p1 =	sne.s32 s19, $0xC800  }
.Ltmp0:
0x1b: {  	s19 =	sadd.s32 $0x800, s19;
	(pc) =	sbr.rel @p1 .LBB2_2-.Ltmp0, $2  }
0x1c: {  	_ =	sdelay $0x2  }
0x1d: {  	s20 =	sshra.s32 s21, $0x2;
	s21 =	sadd.s32 s21, s9  }
0x1e: {  	[tilespmem:s20], [sflag:$0x1] =	stream.linear.gather [hbm4b:s21+s3], $0x200, $0x38;
	[tilespmem:$0x15E68] =	vst v63  }
0x1f: {  	_ =	swait.ge [sflag:s15], $0x3400  }
0x20: {  	[sflag:s15] =	ssyncset.done $0x0  }
0x21: {  	s19 =	simm.s32 $0x0;
	s20 =	simm.s32 $0x0;
	[sflag:s15] =	ssyncadd.s32 $0xFFFFCC00  }
.LBB2_4:
0x22: {  	v0 =	vmov s19;
	_ =	sdelay $0x3  }
0x23: {  	v1 =	vld.msk [tilespmem:s20+$0x6A00 ss:$0x0], $0xffff;
	s21 =	simm.s32 $0x0;
	s22 =	simm.s32 $0x40  }
.LBB2_5:
0x24: {  	p1 =	sne.s32 s22, $0x7C0;
	v2 =	vld.idx.msk [tilespmem:v0+s21+$0x0 ss:$0x1], $0xffff;
	_ =	sdelay $0x2  }
.Ltmp1:
0x25: {  	(pc) =	sbr.rel @p1 .LBB2_5-.Ltmp1, $3  }
0x26: {  	_ =	sdelay $0x1  }
0x27: {  	v2 =	vadd.s32 v1, v2  }
0x28: {  	[tilespmem:v0+s21+$0x0 ss:$0x1] =	vst.idx.msk $0xffff, v2;
	s21 =	sshra.s32 s22, $0x2;
	s22 =	sadd.s32 $0x40, s22  }
0x29: {  	_ =	sdelay $0x3  }
0x2a: {  	v2 =	vld.idx.msk [tilespmem:v0+s21+$0x0 ss:$0x1], $0xffff;
	s20 =	sadd.s32 $0x1, s20  }
0x2b: {  	p1 =	sne.s32 s20, $0x1A  }
.Ltmp2:
0x2c: {  	_ = 	snop;
	(pc) =	sbr.rel @p1 .LBB2_4-.Ltmp2, $3  }
0x2d: {  	_ =	sdelay $0x1  }
0x2e: {  	v1 =	vadd.s32 v1, v2  }
0x2f: {  	s19 =	sadd.s32 $0x200, s19;
	[tilespmem:v0+s21+$0x0 ss:$0x1] =	vst.idx.msk $0xffff, v1  }
0x30: {  	s19 =	simm.s32 @!p0 $0x2  }
0x31: {  	_ =	swait.ge @!p0 [sflag:s19], $0x3D09  }
0x32: {  	[sflag:s19] =	ssyncset.done @!p0 $0x0  }
0x33: {  	s20 =	simm.s32 $0x0;
	[sflag:s19] =	ssyncadd.s32 @!p0 $0xFFFFC2F7  }
0x34: {  	s21 =	simm.s32 $0x3400;
	s19 =	simm.s32 $0x200;
	[bflag:$0x0] =	sbarrier.arrive $0xFFFF  }
.LBB2_8:
0x35: {  	[tilespmem:s21], [sflag:$0x1] =	stream.indirect.gather [spmem:s2], $0x1, s20, s16, $0xb8;
	[tilespmem:$0x15E68] =	vst v63  }
0x36: {  	s20 =	smov.u32 s19;
	p1 =	sne.s32 s19, $0xCE00  }
.Ltmp3:
0x37: {  	s19 =	sadd.s32 $0x200, s19;
	(pc) =	sbr.rel @p1 .LBB2_8-.Ltmp3, $3  }
0x38: {  	_ =	sdelay $0x1  }
0x39: {  	s20 =	sshra.s32 s20, $0x2  }
0x3a: {  	s21 =	sadd.s32 $0x3400, s20  }
0x3b: {  	[tilespmem:s21], [sflag:$0x1] =	stream.indirect.gather [spmem:s2], $0x1, s20, s16, $0xb8;
	[tilespmem:$0x15E68] =	vst v63  }
0x3c: {  	_ =	swait.ge [sflag:s15], $0x3400  }
0x3d: {  	[sflag:s15] =	ssyncset.done $0x0  }
0x3e: {  	s21 =	simm.s32 $0x0;
	[sflag:s15] =	ssyncadd.s32 $0xFFFFCC00  }
0x3f: {  	v0 =	vld [tilespmem:s21+$0x3400]  }
0x40: {  	v1 =	vld [tilespmem:s21+$0x3600];
	_ =	sdelay $0x1  }
0x41: {  	v2 =	vld [tilespmem:s21+$0x3800];
	_ =	sdelay $0x1  }
0x42: {  	v3 =	vld [tilespmem:s21+$0x3A00]  }
0x43: {  	v0 =	vadd.f32 v1, v0  }
0x44: {  	v1 =	vld [tilespmem:s21+$0x3C00]  }
0x45: {  	v0 =	vadd.f32 v2, v0  }
0x46: {  	v2 =	vld [tilespmem:s21+$0x3E00]  }
0x47: {  	v0 =	vadd.f32 v3, v0  }
0x48: {  	v3 =	vld [tilespmem:s21+$0x4000]  }
0x49: {  	v0 =	vadd.f32 v1, v0  }
0x4a: {  	v1 =	vld [tilespmem:s21+$0x4200]  }
0x4b: {  	v2 =	vadd.f32 v2, v0  }
0x4c: {  	v4 =	vld [tilespmem:s21+$0x4400]  }
0x4d: {  	v2 =	vadd.f32 v3, v2  }
0x4e: {  	v3 =	vld [tilespmem:s21+$0x4600]  }
0x4f: {  	v1 =	vadd.f32 v1, v2  }
0x50: {  	v2 =	vld [tilespmem:s21+$0x4800]  }
0x51: {  	v5 =	vld [tilespmem:s21+$0x4A00];
	v1 =	vadd.f32 v4, v1  }
0x52: {  	s19 =	simm.s32 $0x10;
	v6 =	vld [tilespmem:s21+$0x4E00]  }
0x53: {  	v7 =	vld [tilespmem:s19+$0x3600];
	v1 =	vadd.f32 v3, v1  }
0x54: {  	v4 =	vld [tilespmem:s21+$0x4C00]  }
0x55: {  	v8 =	vld [tilespmem:s19+$0x3800];
	v1 =	vadd.f32 v2, v1  }
0x56: {  	v3 =	vld [tilespmem:s19+$0x3400]  }
0x57: {  	v9 =	vld [tilespmem:s19+$0x3A00];
	v1 =	vadd.f32 v5, v1  }
0x58: {  	v2 =	vld [tilespmem:s21+$0x5000]  }
0x59: {  	v58 =	vld [tilespmem:s19+$0x4000];
	v1 =	vadd.f32 v4, v1  }
0x5a: {  	v5 =	vld [tilespmem:s21+$0x5200]  }
0x5b: {  	v3 =	vadd.f32 v7, v3;
	v7 =	vld [tilespmem:s19+$0x3C00];
	v1 =	vadd.f32 v6, v1  }
0x5c: {  	v4 =	vld [tilespmem:s21+$0x5400]  }
0x5d: {  	v3 =	vadd.f32 v8, v3;
	v8 =	vld [tilespmem:s19+$0x3E00];
	v1 =	vadd.f32 v2, v1  }
0x5e: {  	v6 =	vld [tilespmem:s21+$0x5600]  }
0x5f: {  	v59 =	vld [tilespmem:s21+$0x6000];
	v3 =	vadd.f32 v9, v3;
	v1 =	vadd.f32 v5, v1  }
0x60: {  	v2 =	vld [tilespmem:s21+$0x5800]  }
0x61: {  	v3 =	vadd.f32 v7, v3;
	v7 =	vld [tilespmem:s19+$0x4200];
	v1 =	vadd.f32 v4, v1  }
0x62: {  	v5 =	vld [tilespmem:s21+$0x5A00]  }
0x63: {  	v3 =	vadd.f32 v8, v3;
	v8 =	vld [tilespmem:s19+$0x4400];
	v1 =	vadd.f32 v6, v1  }
0x64: {  	v4 =	vld [tilespmem:s21+$0x5C00]  }
0x65: {  	v3 =	vadd.f32 v58, v3;
	v6 =	vld [tilespmem:s21+$0x5E00];
	v1 =	vadd.f32 v2, v1  }
0x66: {  	s20 =	simm.s32 $0x20;
	v2 =	vld [tilespmem:s19+$0x4600]  }
0x67: {  	v60 =	vld [tilespmem:s20+$0x3400];
	v3 =	vadd.f32 v7, v3;
	v1 =	vadd.f32 v5, v1  }
0x68: {  	v5 =	vld [tilespmem:s19+$0x4800]  }
0x69: {  	v7 =	vld [tilespmem:s21+$0x6200];
	v3 =	vadd.f32 v8, v3;
	v1 =	vadd.f32 v4, v1  }
0x6a: {  	v4 =	vld [tilespmem:s19+$0x4A00]  }
0x6b: {  	v8 =	vld [tilespmem:s21+$0x6400];
	v2 =	vadd.f32 v2, v3;
	v1 =	vadd.f32 v6, v1  }
0x6c: {  	v6 =	vld [tilespmem:s19+$0x4C00]  }
0x6d: {  	v3 =	vld [tilespmem:s21+$0x6600];
	v2 =	vadd.f32 v5, v2;
	v1 =	vadd.f32 v59, v1  }
0x6e: {  	v5 =	vld [tilespmem:s19+$0x4E00]  }
0x6f: {  	v2 =	vadd.f32 v4, v2;
	v4 =	vld [tilespmem:s20+$0x3600];
	v1 =	vadd.f32 v7, v1  }
0x70: {  	v0 =	vld [tilespmem:$0x6A30]  }
0x71: {  	v2 =	vadd.f32 v6, v2;
	v6 =	vld [tilespmem:s20+$0x3800];
	v1 =	vadd.f32 v8, v1  }
0x72: {  	v7 =	vld [tilespmem:s19+$0x5000]  }
0x73: {  	v2 =	vadd.f32 v5, v2;
	v5 =	vld [tilespmem:s20+$0x3A00];
	v1 =	vadd.f32 v3, v1  }
0x74: {  	v8 =	vld [tilespmem:s19+$0x5200];
	v4 =	vadd.f32 v4, v60  }
0x75: {  	v61 =	vld [tilespmem:s20+$0x3C00];
	v1 =	vadd.f32 v1, v0  }
0x76: {  	v3 =	vld [tilespmem:s19+$0x5400];
	v4 =	vadd.f32 v6, v4  }
0x77: {  	v2 =	vadd.f32 v7, v2;
	v6 =	vld [tilespmem:s20+$0x3E00];
	v1 =	vsub.f32 $0.0e+00, v1  }
0x78: {  	v7 =	vld [tilespmem:s19+$0x5600];
	v4 =	vadd.f32 v5, v4  }
0x79: {  	v2 =	vadd.f32 v8, v2;
	v5 =	vld [tilespmem:s20+$0x4000];
	v1 =	vmul.f32 $1.442695020e+00, v1  }
0x7a: {  	v8 =	vld [tilespmem:s19+$0x5800];
	v4 =	vadd.f32 v61, v4  }
0x7b: {  	v62 =	vld [tilespmem:s20+$0x4200];
	v2 =	vadd.f32 v3, v2;
	(erf) = vpow2.f32 v1  }
0x7c: {  	v3 =	vld [tilespmem:s19+$0x5A00];
	v4 =	vadd.f32 v6, v4  }
0x7d: {  	v2 =	vadd.f32 v7, v2  }
0x7e: {  	v1 =	vld [tilespmem:s19+$0x5C00];
	v4 =	vadd.f32 v5, v4  }
0x7f: {  	v6 =	vld [tilespmem:s20+$0x4400];
	v2 =	vadd.f32 v8, v2  }
0x80: {  	v7 =	vld [tilespmem:s19+$0x5E00];
	v4 =	vadd.f32 v62, v4  }
0x81: {  	v5 =	vld [tilespmem:s20+$0x4600];
	v2 =	vadd.f32 v3, v2  }
0x82: {  	v3 =	vld [tilespmem:s19+$0x6000]  }
0x83: {  	v63 =	vld [tilespmem:s20+$0x4800];
	v1 =	vadd.f32 v1, v2  }
0x84: {  	v8 =	vld [tilespmem:s19+$0x6200];
	v2 =	vadd.f32 v6, v4;
	v4 =	vpop (erf)  }
0x85: {  	v10 =	vld [tilespmem:s20+$0x4A00];
	v1 =	vadd.f32 v7, v1;
	v11 =	vadd.f32 $1.000000000e+00, v4  }
0x86: {  	v7 =	vld [tilespmem:s19+$0x6400]  }
0x87: {  	v5 =	vadd.f32 v5, v2;
	v2 =	vld [tilespmem:s20+$0x4C00];
	v6 =	vadd.f32 v3, v1;
	(erf) = vrcp.f32 v11  }
0x88: {  	v3 =	vld [tilespmem:s19+$0x6600]  }
0x89: {  	s22 =	simm.s32 $0x30;
	v1 =	vld [tilespmem:s20+$0x4E00];
	v5 =	vadd.f32 v63, v5;
	v8 =	vadd.f32 v8, v6  }
0x8a: {  	v4 =	vld [tilespmem:s22+$0x3400]  }
0x8b: {  	s23 =	simm.s32 $0x100;
	v6 =	vld [tilespmem:s22+$0x3600];
	v5 =	vadd.f32 v10, v5;
	v7 =	vadd.f32 v7, v8  }
.LBB2_10:
0x8c: {  	p1 =	sne.s32 s23, $0x7C0;
	v8 =	vld [tilespmem:s20+$0x5000]  }
0x8d: {  	v9 =	vld [tilespmem:s22+$0x3800];
	v2 =	vadd.f32 v2, v5;
	v3 =	vadd.f32 v3, v7  }
0x8e: {  	v5 =	vld [tilespmem:s20+$0x5200]  }
0x8f: {  	v7 =	vld [tilespmem:s22+$0x3A00];
	v1 =	vadd.f32 v1, v2;
	v2 =	vadd.f32 v3, v0  }
0x90: {  	v3 =	vadd.f32 v6, v4;
	v4 =	vld [tilespmem:s20+$0x5400];
	v6 =	vpop (erf)  }
0x91: {  	v10 =	vld [tilespmem:s22+$0x3C00];
	v1 =	vadd.f32 v8, v1;
	v2 =	vsub.f32 $0.0e+00, v2;
	[tilespmem:s21+$0x6800] =	vst v6;
	s21 =	smov.u32 s19;
	s19 =	smov.u32 s20;
	s20 =	smov.u32 s22  }
0x92: {  	v3 =	vadd.f32 v9, v3;
	v6 =	vld [tilespmem:s19+$0x5600]  }
0x93: {  	v8 =	vld [tilespmem:s20+$0x3E00];
	v1 =	vadd.f32 v5, v1;
	v2 =	vmul.f32 $1.442695020e+00, v2  }
0x94: {  	v3 =	vadd.f32 v7, v3;
	v5 =	vld [tilespmem:s19+$0x5800]  }
0x95: {  	v7 =	vld [tilespmem:s20+$0x4000];
	v1 =	vadd.f32 v4, v1;
	(erf) = vpow2.f32 v2  }
0x96: {  	v2 =	vadd.f32 v10, v3;
	v3 =	vld [tilespmem:s19+$0x5A00]  }
0x97: {  	v4 =	vld [tilespmem:s20+$0x4200];
	v1 =	vadd.f32 v6, v1  }
0x98: {  	v2 =	vadd.f32 v8, v2;
	v6 =	vld [tilespmem:s19+$0x5C00]  }
0x99: {  	v8 =	vld [tilespmem:s20+$0x4400];
	v1 =	vadd.f32 v5, v1  }
0x9a: {  	v2 =	vadd.f32 v7, v2;
	v5 =	vld [tilespmem:s19+$0x5E00]  }
0x9b: {  	v1 =	vadd.f32 v3, v1;
	v3 =	vld [tilespmem:s19+$0x6000]  }
0x9c: {  	v2 =	vadd.f32 v4, v2;
	v4 =	vld [tilespmem:s20+$0x4600]  }
0x9d: {  	v1 =	vadd.f32 v6, v1;
	v6 =	vld [tilespmem:s19+$0x6200]  }
0x9e: {  	v2 =	vadd.f32 v8, v2;
	v7 =	vld [tilespmem:s20+$0x4800];
	v8 =	vpop (erf)  }
0x9f: {  	v1 =	vadd.f32 v5, v1;
	v9 =	vld [tilespmem:s19+$0x6400];
	v5 =	vadd.f32 $1.000000000e+00, v8  }
0xa0: {  	v8 =	vld [tilespmem:s20+$0x4A00]  }
.Ltmp4:
0xa1: {  	v4 =	vadd.f32 v4, v2;
	v10 =	vadd.f32 v3, v1;
	v3 =	vld [tilespmem:s19+$0x6600];
	(erf) = vrcp.f32 v5;
	(pc) =	sbr.rel @p1 .LBB2_10-.Ltmp4, $4  }
0xa2: {  	v2 =	vld [tilespmem:s20+$0x4C00]  }
0xa3: {  	s22 =	sshra.s32 s23, $0x2;
	v5 =	vadd.f32 v7, v4;
	v1 =	vld [tilespmem:s20+$0x4E00];
	v7 =	vadd.f32 v6, v10  }
0xa4: {  	v4 =	vld [tilespmem:s22+$0x3400]  }
0xa5: {  	s23 =	sadd.s32 $0x40, s23;
	v6 =	vld [tilespmem:s22+$0x3600];
	v5 =	vadd.f32 v8, v5;
	v7 =	vadd.f32 v9, v7  }
0xa6: {  	_ = 	snop  }
0xa7: {  	v3 =	vadd.f32 v3, v7  }
0xa8: {  	v26 =	vld [tilespmem:s22+$0x3800]  }
0xa9: {  	v8 =	vld [tilespmem:s20+$0x5000];
	v3 =	vadd.f32 v3, v0  }
0xaa: {  	v10 =	vld [tilespmem:s22+$0x3A00]  }
0xab: {  	v9 =	vld [tilespmem:s20+$0x5200];
	v4 =	vadd.f32 v6, v4;
	v3 =	vsub.f32 $0.0e+00, v3  }
0xac: {  	v12 =	vld [tilespmem:s22+$0x3C00];
	v11 =	vpop (erf)  }
0xad: {  	v27 =	vld [tilespmem:s20+$0x5400];
	[tilespmem:s21+$0x6800] =	vst v11;
	v4 =	vadd.f32 v26, v4;
	v3 =	vmul.f32 $1.442695020e+00, v3  }
0xae: {  	v28 =	vld [tilespmem:s22+$0x3E00]  }
0xaf: {  	v4 =	vadd.f32 v10, v4;
	(erf) = vpow2.f32 v3  }
0xb0: {  	v29 =	vld [tilespmem:s22+$0x4000]  }
0xb1: {  	v4 =	vadd.f32 v12, v4  }
0xb2: {  	v30 =	vld [tilespmem:s22+$0x4200]  }
0xb3: {  	v4 =	vadd.f32 v28, v4  }
0xb4: {  	v2 =	vadd.f32 v2, v5;
	v31 =	vld [tilespmem:s22+$0x4400]  }
0xb5: {  	v11 =	vld [tilespmem:s20+$0x5600];
	v3 =	vadd.f32 v29, v4  }
0xb6: {  	v1 =	vadd.f32 v1, v2;
	v33 =	vld [tilespmem:s22+$0x4600]  }
0xb7: {  	v32 =	vld [tilespmem:s20+$0x5800];
	v3 =	vadd.f32 v30, v3  }
0xb8: {  	v1 =	vadd.f32 v8, v1;
	v35 =	vld [tilespmem:s22+$0x4800];
	v36 =	vpop (erf)  }
0xb9: {  	v34 =	vld [tilespmem:s20+$0x5A00];
	v3 =	vadd.f32 v31, v3;
	v10 =	vadd.f32 $1.000000000e+00, v36  }
0xba: {  	v38 =	vld [tilespmem:s22+$0x4A00];
	v1 =	vadd.f32 v9, v1  }
0xbb: {  	v37 =	vld [tilespmem:s20+$0x5C00];
	v2 =	vadd.f32 v33, v3;
	(erf) = vrcp.f32 v10  }
0xbc: {  	v40 =	vld [tilespmem:s22+$0x4C00];
	v1 =	vadd.f32 v27, v1  }
0xbd: {  	v39 =	vld [tilespmem:s20+$0x5E00];
	v2 =	vadd.f32 v35, v2  }
0xbe: {  	v42 =	vld [tilespmem:s22+$0x4E00];
	v1 =	vadd.f32 v11, v1  }
0xbf: {  	v41 =	vld [tilespmem:s20+$0x6000];
	v2 =	vadd.f32 v38, v2  }
0xc0: {  	v44 =	vld [tilespmem:s22+$0x5000];
	v1 =	vadd.f32 v32, v1  }
0xc1: {  	v43 =	vld [tilespmem:s20+$0x6200];
	v2 =	vadd.f32 v40, v2  }
0xc2: {  	v46 =	vld [tilespmem:s22+$0x5200];
	v1 =	vadd.f32 v34, v1  }
0xc3: {  	v45 =	vld [tilespmem:s20+$0x6400];
	v2 =	vadd.f32 v42, v2  }
0xc4: {  	v48 =	vld [tilespmem:s22+$0x5400];
	v1 =	vadd.f32 v37, v1;
	v49 =	vpop (erf)  }
0xc5: {  	v47 =	vld [tilespmem:s20+$0x6600];
	v2 =	vadd.f32 v44, v2;
	[tilespmem:s19+$0x6800] =	vst v49  }
0xc6: {  	v1 =	vadd.f32 v39, v1;
	v50 =	vld [tilespmem:s22+$0x5600]  }
0xc7: {  	v2 =	vadd.f32 v46, v2  }
0xc8: {  	v1 =	vadd.f32 v41, v1;
	v51 =	vld [tilespmem:s22+$0x5800]  }
0xc9: {  	v2 =	vadd.f32 v48, v2  }
0xca: {  	v1 =	vadd.f32 v43, v1;
	v52 =	vld [tilespmem:s22+$0x5A00]  }
0xcb: {  	v2 =	vadd.f32 v50, v2  }
0xcc: {  	v1 =	vadd.f32 v45, v1;
	v53 =	vld [tilespmem:s22+$0x5C00]  }
0xcd: {  	v2 =	vadd.f32 v51, v2  }
0xce: {  	v1 =	vadd.f32 v47, v1;
	v54 =	vld [tilespmem:s22+$0x5E00]  }
0xcf: {  	v2 =	vadd.f32 v52, v2  }
0xd0: {  	v1 =	vadd.f32 v1, v0;
	v55 =	vld [tilespmem:s22+$0x6000]  }
0xd1: {  	v2 =	vadd.f32 v53, v2  }
0xd2: {  	v1 =	vsub.f32 $0.0e+00, v1;
	v56 =	vld [tilespmem:s22+$0x6200]  }
0xd3: {  	v2 =	vadd.f32 v54, v2  }
0xd4: {  	v57 =	vld [tilespmem:s22+$0x6400];
	v1 =	vmul.f32 $1.442695020e+00, v1  }
0xd5: {  	v2 =	vadd.f32 v55, v2  }
0xd6: {  	v58 =	vld [tilespmem:s22+$0x6600];
	(erf) = vpow2.f32 v1  }
0xd7: {  	v2 =	vadd.f32 v56, v2;
	_ =	sdelay $0x1  }
0xd8: {  	v2 =	vadd.f32 v57, v2;
	_ =	sdelay $0x1  }
0xd9: {  	v1 =	vadd.f32 v58, v2;
	_ =	sdelay $0x1  }
0xda: {  	v59 =	vadd.f32 v1, v0;
	_ =	sdelay $0x1  }
0xdb: {  	v60 =	vpop (erf);
	v0 =	vsub.f32 $0.0e+00, v59  }
0xdc: {  	v1 =	vadd.f32 $1.000000000e+00, v60  }
0xdd: {  	v0 =	vmul.f32 $1.442695020e+00, v0  }
0xde: {  	(erf) = vrcp.f32 v1  }
0xdf: {  	(erf) = vpow2.f32 v0;
	_ =	sdelay $0x7  }
0xe0: {  	v61 =	vpop (erf)  }
0xe1: {  	v62 =	vpop (erf)  }
0xe2: {  	v1 =	vadd.f32 $1.000000000e+00, v62;
	_ =	sdelay $0x1  }
0xe3: {  	(erf) = vrcp.f32 v1;
	_ =	sdelay $0x7  }
0xe4: {  	s18 =	sadd.s32 $0x1, s18  }
0xe5: {  	p1 =	sne.s32 s18, s8;
	[tilespmem:s20+$0x6800] =	vst v61;
	v63 =	vpop (erf)  }
.Ltmp5:
0xe6: {  	[tilespmem:s22+$0x6800] =	vst v63;
	(pc) =	sbr.rel @p1 .LBB2_1-.Ltmp5, $4  }
0xe7: {  	[hbm4b:s7+s3] =	stream.linear.scatter [tilespmem:s17], [sflag:$0x3], $0x200, $0x38;
	[tilespmem:$0x15E68] =	vst v63  }
0xe8: {  	_ =	swait.ge [sflag:s13], $0x200  }
0xe9: {  	[sflag:s13] =	ssyncset.done $0x0  }
0xea: {  	[sflag:s13] =	ssyncadd.s32 $0xFFFFFE00  }
0xeb: {  	_ =	sfence.sel $0x180000  }
0xec: {  	[bflag:$0x0] =	sbarrier.arrive $0xFFFF  }
0xed: {  	p0 =	sne.s32 s1, $0x0;
	_ =	strace $0x90000047  }
0xee: {  	s0 =	sadd.s32 @!p0 $0x100000, s0;
	[bflag:$0x2] =	sbarrier.arrive $0xFFFF  }
0xef: {  	[sflag:s0] =	ssyncadd.tile.s32 @!p0 $0x1;
	_ =	shalt  }
.Lfunc_end2:
_tile_overlayer_lowered:
.L_overlay_start_2:
0xf0: {  	(tag) =	ssettag $0x2  }
0xf1: {  	s0 =	rddreg [dreg:$0x0];
	s2 =	stileid.u32  }
0xf2: {  	s1 =	rddreg [dreg:$0x1];
	p0 =	sne.s32 s2, $0x0  }
0xf3: {  	s3 =	rddreg [dreg:$0x2];
	[bflag:$0x3] =	sbarrier.arrive $0xFFFF;
	s2 =	simm.s32 @!p0 $0x1C03  }
0xf4: {  	[timem:s3], [sflag:s2] =	dma.local @!p0 [hbm:s0], s1  }
0xf5: {  	s0 =	simm.s32 @!p0 $0x3  }
0xf6: {  	_ =	swait.ge @!p0 [sflag:s0], s1  }
0xf7: {  	s1 =	ssub.s32 @!p0 $0x0, s1;
	[sflag:s0] =	ssyncset.done @!p0 $0x0  }
0xf8: {  	[sflag:s0] =	ssyncadd.s32 @!p0 s1  }
0xf9: {  	[bflag:$0x3] =	sbarrier.arrive $0xFFFF  }
0xfa: {  	_ =	shalt  }

</sc_bundles>
